<compile_context>
chip_gen: v7x
topology: tpu7x:2x2x1
jax: 0.10.2.dev20260603
libtpu: 0.0.44.dev20260713+nightly
codegen_flags: <defaults>
</compile_context>

<pallas_src>
import functools

import jax
import jax.numpy as jnp
from jax import lax
from jax.experimental import pallas as pl
from jax.experimental.pallas import tpu as pltpu
from jax.experimental.pallas import tpu_sc as plsc

RADIUS = 1.0
NUM_KP = 3
KP_EXTENT = RADIUS / (NUM_KP - 1) * (3 ** 0.5)

TW = 128
SC_CHUNK = 200


def _sc_gather(table, idx_flat):
    info = plsc.get_sparse_core_info()
    nw = info.num_cores * info.num_subcores
    nidx = idx_flat.shape[0]
    per_w = nidx // nw
    assert per_w * nw == nidx and per_w % SC_CHUNK == 0
    n_chunks = per_w // SC_CHUNK
    mesh = plsc.VectorSubcoreMesh(core_axis_name="c", subcore_axis_name="s")

    @functools.partial(
        pl.kernel,
        mesh=mesh,
        out_type=jax.ShapeDtypeStruct((nidx, TW), jnp.float32),
        scratch_types=[
            pltpu.VMEM((SC_CHUNK,), jnp.int32),
            pltpu.VMEM((SC_CHUNK,), jnp.int32),
            pltpu.VMEM((SC_CHUNK, TW), jnp.float32),
            pltpu.VMEM((SC_CHUNK, TW), jnp.float32),
            pltpu.SemaphoreType.DMA,
            pltpu.SemaphoreType.DMA,
            pltpu.SemaphoreType.DMA,
        ],
    )
    def gather_kernel(tab_hbm, idx_hbm, out_hbm, idx_v0, idx_v1,
                      rows_v0, rows_v1, gsem, wsem0, wsem1):
        wid = lax.axis_index("s") * info.num_cores + lax.axis_index("c")
        base = wid * per_w
        idxs = (idx_v0, idx_v1)
        rows = (rows_v0, rows_v1)
        wsems = (wsem0, wsem1)
        assert n_chunks % 2 == 0 and n_chunks >= 4

        @pl.loop(0, n_chunks, step=2)
        def _chunks(i):
            for b in range(2):
                c = i + b
                off = base + c * SC_CHUNK

                @pl.when(c >= 2)
                def _drain_prev():
                    pltpu.make_async_copy(
                        rows[b],
                        out_hbm.at[pl.ds(off - 2 * SC_CHUNK, SC_CHUNK)],
                        wsems[b]).wait()

                pltpu.sync_copy(idx_hbm.at[pl.ds(off, SC_CHUNK)], idxs[b])
                pltpu.async_copy(tab_hbm.at[idxs[b]], rows[b], gsem).wait()
                pltpu.async_copy(rows[b],
                                 out_hbm.at[pl.ds(off, SC_CHUNK)], wsems[b])

        for b in range(2):
            off = base + (n_chunks - 2 + b) * SC_CHUNK
            pltpu.make_async_copy(
                rows[b], out_hbm.at[pl.ds(off, SC_CHUNK)],
                wsems[b]).wait()

    return gather_kernel(table, idx_flat)


def _tc_body(nb, cin, g_ref, q_ref, kpt_ref, kpsq_ref, exp_ref, w_ref, o_ref):
    bp = o_ref.shape[0]
    g = g_ref[...]
    feat = g[:, :cin]
    p = g[:, cin:cin + 4] - q_ref[...]
    dots = (p[:, 0:1] * kpt_ref[0:1, :]
            + p[:, 1:2] * kpt_ref[1:2, :]
            + p[:, 2:3] * kpt_ref[2:3, :])
    p2 = jnp.sum(p * p, axis=1, keepdims=True)
    d2 = jnp.maximum(p2 - 2.0 * dots + kpsq_ref[0:1, :], 0.0)
    aw = jnp.maximum(1.0 - jnp.sqrt(d2) * (1.0 / KP_EXTENT), 0.0)
    feat4 = jnp.concatenate([feat, feat, feat, feat], axis=1)
    awx = lax.dot_general(aw, exp_ref[...], (((1,), (0,)), ((), ())),
                          preferred_element_type=jnp.float32)
    parts = []
    for grp in range(7):
        prod = awx[:, grp * 4 * cin:(grp + 1) * 4 * cin] * feat4
        red = prod.reshape(bp, nb, 4 * cin).sum(axis=1)
        parts.append(red)
    tmp = jnp.concatenate(parts, axis=1)
    o_ref[...] = lax.dot_general(tmp, w_ref[...], (((1,), (0,)), ((), ())),
                                 preferred_element_type=jnp.float32,
                                 precision=lax.Precision.HIGHEST)


def _tc_conv(gathered, qrep4, kpt, kpsq, expm, wpad, n, nb, bp):
    cin = wpad.shape[0] // 28
    cout = wpad.shape[1]
    grid = (n // bp,)
    return pl.pallas_call(
        functools.partial(_tc_body, nb, cin),
        grid=grid,
        in_specs=[
            pl.BlockSpec((bp * nb, TW), lambda i: (i, 0)),
            pl.BlockSpec((bp * nb, 4), lambda i: (i, 0)),
            pl.BlockSpec(kpt.shape, lambda i: (0, 0)),
            pl.BlockSpec(kpsq.shape, lambda i: (0, 0)),
            pl.BlockSpec(expm.shape, lambda i: (0, 0)),
            pl.BlockSpec(wpad.shape, lambda i: (0, 0)),
        ],
        out_specs=pl.BlockSpec((bp, cout), lambda i: (i, 0)),
        out_shape=jax.ShapeDtypeStruct((n, cout), jnp.float32),
        compiler_params=pltpu.CompilerParams(
            vmem_limit_bytes=120 * 1024 * 1024),
    )(gathered, qrep4, kpt, kpsq, expm, wpad)


def kernel(q_pts, s_pts, neighb_inds, x, weights, kernel_points):
    n, nb = neighb_inds.shape
    cin = x.shape[1]
    k = weights.shape[0]
    cout = weights.shape[2]

    xx = jnp.concatenate([x, jnp.zeros((1, cin), jnp.float32)], axis=0)
    ss = jnp.concatenate(
        [s_pts, jnp.full((1, 3), 1e6, jnp.float32)], axis=0)
    pad = jnp.zeros((n + 1, TW - cin - 3), jnp.float32)
    table = jnp.concatenate([xx, ss, pad], axis=1)

    gathered = _sc_gather(table, neighb_inds.reshape(-1))

    q4 = jnp.concatenate([q_pts, jnp.zeros((n, 1), jnp.float32)], axis=1)
    qrep4 = jnp.broadcast_to(q4[:, None, :], (n, nb, 4)).reshape(n * nb, 4)

    kl = 32
    kpt = jnp.zeros((4, kl), jnp.float32).at[:3, :k].set(kernel_points.T)
    kpsq = jnp.full((8, kl), 1e10, jnp.float32)
    kpsq = kpsq.at[0, :k].set(jnp.sum(kernel_points ** 2, axis=1))
    expm = (jnp.arange(28 * cin)[None, :] // cin
            == jnp.arange(32)[:, None]).astype(jnp.float32)
    wpad = jnp.concatenate(
        [weights.reshape(k * cin, cout),
         jnp.zeros((cin, cout), jnp.float32)], axis=0)

    return _tc_conv(gathered, qrep4, kpt, kpsq, expm, wpad, n, nb, 400)

# --- scband reference (transcript-rebuilt; emitter-appended) ---
"""Pipeline reference for scband-kpconv-14920716386526 (READ-ONLY COPY).

The authoritative reference and input builder live on the scoring server;
editing this copy changes nothing except your own understanding.
"""

import jax, jax.numpy as jnp
import numpy as np

RADIUS = 1.0
NUM_KERNELS = 3
P_DIM = 3
KP_EXTENT = RADIUS / (NUM_KERNELS - 1) * (P_DIM ** 0.5)


def get_kernel_points(radius, num_points=3, dim=3):
    xyz = np.linspace(-1.0, 1.0, num_points)
    pts = np.meshgrid(*dim * [xyz])
    pts = [p.flatten() for p in pts]
    pts = np.vstack(pts).T
    pts /= dim ** 0.5
    return (pts * radius).astype(np.float32)


def setup_inputs(seed: int = 0):
    key = jax.random.key(seed)
    k1, k2, k3, k4, k5 = jax.random.split(key, 5)
    N = 50000
    NEIGH = 32
    C_IN = 32
    C_OUT = 32
    K = NUM_KERNELS ** P_DIM  # 27
    q_pts = jax.random.uniform(k1, (N, 3), dtype=jnp.float32)
    s_pts = jax.random.uniform(k2, (N, 3), dtype=jnp.float32)
    neighb_inds = jax.random.randint(k3, (N, NEIGH), 0, N, dtype=jnp.int32)
    x = jax.random.normal(k4, (N, C_IN), dtype=jnp.float32)
    weights = jax.random.normal(k5, (K, C_IN, C_OUT), dtype=jnp.float32) * 0.05
    kernel_points = jnp.asarray(get_kernel_points(RADIUS, NUM_KERNELS, P_DIM))
    return {"q_pts": q_pts, "s_pts": s_pts, "neighb_inds": neighb_inds, "x": x,
            "weights": weights, "kernel_points": kernel_points}


def reference(q_pts, s_pts, neighb_inds, x, weights, kernel_points):
    # append shadow point / shadow feature row
    s_pts = jnp.concatenate([s_pts, jnp.full((1, s_pts.shape[-1]), 1e6, dtype=s_pts.dtype)], axis=-2)
    x = jnp.concatenate([x, jnp.zeros((1, x.shape[-1]), dtype=x.dtype)], axis=-2)
    # gather neighbor coordinates and features: [N, NEIGH, 3], [N, NEIGH, C_in]
    neighbors = jnp.take(s_pts, neighb_inds, axis=0)
    neighb_x = jnp.take(x, neighb_inds, axis=0)
    # center on query points
    neighbors = neighbors - q_pts[:, None, :]
    # differences to kernel points: [N, NEIGH, K, 3]
    differences = neighbors[:, :, None, :] - kernel_points[None, None, :, :]
    sq_distances = jnp.sum(differences ** 2, axis=-1)
    all_weights = jnp.clip(1.0 - jnp.sqrt(sq_distances) / KP_EXTENT, 0.0, None)
    fx = jnp.einsum('nkl,nki,lio->no', all_weights, neighb_x, weights)
    return fx

if __name__ == "__main__":
    import jax
    _d = setup_inputs()
    print(jax.jit(kernel)(*tuple(_d.values())))

</pallas_src>

<mosaic_0001>
#map = affine_map<(d0, d1) -> (0, 0)>
#map1 = affine_map<(d0, d1) -> (0)>
module attributes {stable_mosaic.version = 14 : i64} {
  func.func @gather_kernel(%arg0: i32, %arg1: i32, %arg2: memref<50001x128xf32, #tpu.memory_space<hbm>>, %arg3: memref<1600000xi32, #tpu.memory_space<hbm>>, %arg4: memref<1600000x128xf32, #tpu.memory_space<hbm>>, %arg5: memref<200xi32, #tpu.memory_space<vmem>>, %arg6: memref<200xi32, #tpu.memory_space<vmem>>, %arg7: memref<200x128xf32, #tpu.memory_space<vmem>>, %arg8: memref<200x128xf32, #tpu.memory_space<vmem>>, %arg9: memref<!tpu.dma_semaphore, #tpu.memory_space<semaphore_mem>>, %arg10: memref<!tpu.dma_semaphore, #tpu.memory_space<semaphore_mem>>, %arg11: memref<!tpu.dma_semaphore, #tpu.memory_space<semaphore_mem>>) attributes {dimension_semantics = [#tpu.dimension_semantics<core_parallel>, #tpu.dimension_semantics<subcore_parallel>], iteration_bounds = array<i64: 2, 16>, scalar_prefetch = 0 : i64, scratch_operands = 7 : i64, tpu.core_type = #tpu.core_type<sc_vector_subcore>, window_params = [{transform_indices = #map}, {transform_indices = #map1}, {transform_indices = #map}]} {
    %mul3A = arith.constant 2 : i32
    %mul3A_0 = arith.muli %arg1, %mul3A : i32
    %add3A = arith.addi %mul3A_0, %arg0 : i32
    %mul3A_1 = arith.constant 50000 : i32
    %mul3A_2 = arith.muli %add3A, %mul3A_1 : i32
    %scan3A = arith.constant 0 : i32
    %scan3A_3 = arith.constant 125 : i32
    %scan3A_4 = arith.addi %scan3A, %scan3A_3 : i32
    %scan3A_5 = arith.constant 1 : i32
    scf.for %scan3A_18 = %scan3A to %scan3A_4 step %scan3A_5  : i32 {
      %mul3A_19 = arith.constant 2 : i32
      %mul3A_20 = arith.muli %scan3A_18, %mul3A_19 : i32
      %add3A_21 = arith.constant 0 : i32
      %add3A_22 = arith.addi %add3A_21, %mul3A_20 : i32
      %add3A_23 = arith.constant 0 : i32
      %add3A_24 = arith.addi %add3A_22, %add3A_23 : i32
      %mul3A_25 = arith.constant 200 : i32
      %mul3A_26 = arith.muli %add3A_24, %mul3A_25 : i32
      %add3A_27 = arith.addi %mul3A_2, %mul3A_26 : i32
      %ge3A = arith.constant 2 : i32
      %ge3A_28 = arith.cmpi sge, %add3A_24, %ge3A : i32
      %convert_element_type3A = arith.extui %ge3A_28 : i1 to i32
      %cond3A = arith.constant 0 : i32
      %cond3A_29 = arith.cmpi ne, %convert_element_type3A, %cond3A : i32
      scf.if %cond3A_29 {
        %sub3A = arith.constant 400 : i32
        %sub3A_59 = arith.subi %add3A_27, %sub3A : i32
        %dma_wait3A_60 = arith.constant 0 : i32
        %dma_wait3A_61 = tpu.memref_slice %arg4[%sub3A_59, %dma_wait3A_60] : memref<1600000x128xf32, #tpu.memory_space<hbm>> -> memref<200x128xf32, #tpu.memory_space<hbm>>
        %dma_wait3A_62 = arith.constant 0 : i32
        %dma_wait3A_63 = tpu.memref_slice %arg4[%sub3A_59, %dma_wait3A_62] : memref<1600000x128xf32, #tpu.memory_space<hbm>> -> memref<200x128xf32, #tpu.memory_space<hbm>>
        tpu.wait_dma2 semaphore(%arg10 : memref<!tpu.dma_semaphore, #tpu.memory_space<semaphore_mem>>) src(%arg7 : memref<200x128xf32, #tpu.memory_space<vmem>>) dst(%dma_wait3A_63 : memref<200x128xf32, #tpu.memory_space<hbm>>)
      } else {
      }
      "tpu.region"() ({
        %run_scoped3A = tpu.sem_alloc : memref<!tpu.dma_semaphore, #tpu.memory_space<semaphore_mem>>
        %dma_start3A_59 = tpu.memref_slice %arg3[%add3A_27] : memref<1600000xi32, #tpu.memory_space<hbm>> -> memref<200xi32, #tpu.memory_space<hbm>>
        %dma_start3A_60 = tpu.memref_slice %arg3[%add3A_27] : memref<1600000xi32, #tpu.memory_space<hbm>> -> memref<200xi32, #tpu.memory_space<hbm>>
        tpu.enqueue_dma source(%dma_start3A_60 : memref<200xi32, #tpu.memory_space<hbm>>) target(%arg5 : memref<200xi32, #tpu.memory_space<vmem>>) target_semaphore(%run_scoped3A : memref<!tpu.dma_semaphore, #tpu.memory_space<semaphore_mem>>)
        %dma_wait3A_61 = tpu.memref_slice %arg3[%add3A_27] : memref<1600000xi32, #tpu.memory_space<hbm>> -> memref<200xi32, #tpu.memory_space<hbm>>
        %dma_wait3A_62 = tpu.memref_slice %arg3[%add3A_27] : memref<1600000xi32, #tpu.memory_space<hbm>> -> memref<200xi32, #tpu.memory_space<hbm>>
        tpu.wait_dma2 semaphore(%run_scoped3A : memref<!tpu.dma_semaphore, #tpu.memory_space<semaphore_mem>>) src(%dma_wait3A_62 : memref<200xi32, #tpu.memory_space<hbm>>) dst(%arg5 : memref<200xi32, #tpu.memory_space<vmem>>)
        tpu.yield
      }) : () -> ()
      %dma_start3A = arith.constant 0 : i32
      %dma_start3A_30 = arith.constant 0 : i32
      %dma_start3A_31 = tpu.memref_slice %arg2[%dma_start3A, %dma_start3A_30] : memref<50001x128xf32, #tpu.memory_space<hbm>> -> memref<50001x128xf32, #tpu.memory_space<hbm>>
      tpu.enqueue_indirect_dma source(%dma_start3A_31 : memref<50001x128xf32, #tpu.memory_space<hbm>>) target(%arg7 : memref<200x128xf32, #tpu.memory_space<vmem>>) offsets(%arg5 : memref<200xi32, #tpu.memory_space<vmem>>) semaphore(%arg9 : memref<!tpu.dma_semaphore, #tpu.memory_space<semaphore_mem>>)
      %dma_wait3A_32 = arith.constant 0 : i32
      %dma_wait3A_33 = arith.constant 0 : i32
      %dma_wait3A_34 = tpu.memref_slice %arg2[%dma_wait3A_32, %dma_wait3A_33] : memref<50001x128xf32, #tpu.memory_space<hbm>> -> memref<50001x128xf32, #tpu.memory_space<hbm>>
      tpu.wait_indirect_dma semaphore(%arg9 : memref<!tpu.dma_semaphore, #tpu.memory_space<semaphore_mem>>) src(%dma_wait3A_34 : memref<50001x128xf32, #tpu.memory_space<hbm>>) dst(%arg7 : memref<200x128xf32, #tpu.memory_space<vmem>>)
      %dma_start3A_35 = arith.constant 0 : i32
      %dma_start3A_36 = tpu.memref_slice %arg4[%add3A_27, %dma_start3A_35] : memref<1600000x128xf32, #tpu.memory_space<hbm>> -> memref<200x128xf32, #tpu.memory_space<hbm>>
      %dma_start3A_37 = arith.constant 0 : i32
      %dma_start3A_38 = tpu.memref_slice %arg4[%add3A_27, %dma_start3A_37] : memref<1600000x128xf32, #tpu.memory_space<hbm>> -> memref<200x128xf32, #tpu.memory_space<hbm>>
      tpu.enqueue_dma source(%arg7 : memref<200x128xf32, #tpu.memory_space<vmem>>) target(%dma_start3A_38 : memref<200x128xf32, #tpu.memory_space<hbm>>) target_semaphore(%arg10 : memref<!tpu.dma_semaphore, #tpu.memory_space<semaphore_mem>>)
      %add3A_39 = arith.constant 1 : i32
      %add3A_40 = arith.addi %add3A_22, %add3A_39 : i32
      %mul3A_41 = arith.constant 200 : i32
      %mul3A_42 = arith.muli %add3A_40, %mul3A_41 : i32
      %add3A_43 = arith.addi %mul3A_2, %mul3A_42 : i32
      %ge3A_44 = arith.constant 2 : i32
      %ge3A_45 = arith.cmpi sge, %add3A_40, %ge3A_44 : i32
      %convert_element_type3A_46 = arith.extui %ge3A_45 : i1 to i32
      %cond3A_47 = arith.constant 0 : i32
      %cond3A_48 = arith.cmpi ne, %convert_element_type3A_46, %cond3A_47 : i32
      scf.if %cond3A_48 {
        %sub3A = arith.constant 400 : i32
        %sub3A_59 = arith.subi %add3A_43, %sub3A : i32
        %dma_wait3A_60 = arith.constant 0 : i32
        %dma_wait3A_61 = tpu.memref_slice %arg4[%sub3A_59, %dma_wait3A_60] : memref<1600000x128xf32, #tpu.memory_space<hbm>> -> memref<200x128xf32, #tpu.memory_space<hbm>>
        %dma_wait3A_62 = arith.constant 0 : i32
        %dma_wait3A_63 = tpu.memref_slice %arg4[%sub3A_59, %dma_wait3A_62] : memref<1600000x128xf32, #tpu.memory_space<hbm>> -> memref<200x128xf32, #tpu.memory_space<hbm>>
        tpu.wait_dma2 semaphore(%arg11 : memref<!tpu.dma_semaphore, #tpu.memory_space<semaphore_mem>>) src(%arg8 : memref<200x128xf32, #tpu.memory_space<vmem>>) dst(%dma_wait3A_63 : memref<200x128xf32, #tpu.memory_space<hbm>>)
      } else {
      }
      "tpu.region"() ({
        %run_scoped3A = tpu.sem_alloc : memref<!tpu.dma_semaphore, #tpu.memory_space<semaphore_mem>>
        %dma_start3A_59 = tpu.memref_slice %arg3[%add3A_43] : memref<1600000xi32, #tpu.memory_space<hbm>> -> memref<200xi32, #tpu.memory_space<hbm>>
        %dma_start3A_60 = tpu.memref_slice %arg3[%add3A_43] : memref<1600000xi32, #tpu.memory_space<hbm>> -> memref<200xi32, #tpu.memory_space<hbm>>
        tpu.enqueue_dma source(%dma_start3A_60 : memref<200xi32, #tpu.memory_space<hbm>>) target(%arg6 : memref<200xi32, #tpu.memory_space<vmem>>) target_semaphore(%run_scoped3A : memref<!tpu.dma_semaphore, #tpu.memory_space<semaphore_mem>>)
        %dma_wait3A_61 = tpu.memref_slice %arg3[%add3A_43] : memref<1600000xi32, #tpu.memory_space<hbm>> -> memref<200xi32, #tpu.memory_space<hbm>>
        %dma_wait3A_62 = tpu.memref_slice %arg3[%add3A_43] : memref<1600000xi32, #tpu.memory_space<hbm>> -> memref<200xi32, #tpu.memory_space<hbm>>
        tpu.wait_dma2 semaphore(%run_scoped3A : memref<!tpu.dma_semaphore, #tpu.memory_space<semaphore_mem>>) src(%dma_wait3A_62 : memref<200xi32, #tpu.memory_space<hbm>>) dst(%arg6 : memref<200xi32, #tpu.memory_space<vmem>>)
        tpu.yield
      }) : () -> ()
      %dma_start3A_49 = arith.constant 0 : i32
      %dma_start3A_50 = arith.constant 0 : i32
      %dma_start3A_51 = tpu.memref_slice %arg2[%dma_start3A_49, %dma_start3A_50] : memref<50001x128xf32, #tpu.memory_space<hbm>> -> memref<50001x128xf32, #tpu.memory_space<hbm>>
      tpu.enqueue_indirect_dma source(%dma_start3A_51 : memref<50001x128xf32, #tpu.memory_space<hbm>>) target(%arg8 : memref<200x128xf32, #tpu.memory_space<vmem>>) offsets(%arg6 : memref<200xi32, #tpu.memory_space<vmem>>) semaphore(%arg9 : memref<!tpu.dma_semaphore, #tpu.memory_space<semaphore_mem>>)
      %dma_wait3A_52 = arith.constant 0 : i32
      %dma_wait3A_53 = arith.constant 0 : i32
      %dma_wait3A_54 = tpu.memref_slice %arg2[%dma_wait3A_52, %dma_wait3A_53] : memref<50001x128xf32, #tpu.memory_space<hbm>> -> memref<50001x128xf32, #tpu.memory_space<hbm>>
      tpu.wait_indirect_dma semaphore(%arg9 : memref<!tpu.dma_semaphore, #tpu.memory_space<semaphore_mem>>) src(%dma_wait3A_54 : memref<50001x128xf32, #tpu.memory_space<hbm>>) dst(%arg8 : memref<200x128xf32, #tpu.memory_space<vmem>>)
      %dma_start3A_55 = arith.constant 0 : i32
      %dma_start3A_56 = tpu.memref_slice %arg4[%add3A_43, %dma_start3A_55] : memref<1600000x128xf32, #tpu.memory_space<hbm>> -> memref<200x128xf32, #tpu.memory_space<hbm>>
      %dma_start3A_57 = arith.constant 0 : i32
      %dma_start3A_58 = tpu.memref_slice %arg4[%add3A_43, %dma_start3A_57] : memref<1600000x128xf32, #tpu.memory_space<hbm>> -> memref<200x128xf32, #tpu.memory_space<hbm>>
      tpu.enqueue_dma source(%arg8 : memref<200x128xf32, #tpu.memory_space<vmem>>) target(%dma_start3A_58 : memref<200x128xf32, #tpu.memory_space<hbm>>) target_semaphore(%arg11 : memref<!tpu.dma_semaphore, #tpu.memory_space<semaphore_mem>>)
    }
    %scan3A_6 = arith.constant 125 : i32
    %add3A_7 = arith.constant 49600 : i32
    %add3A_8 = arith.addi %mul3A_2, %add3A_7 : i32
    %dma_wait3A = arith.constant 0 : i32
    %dma_wait3A_9 = tpu.memref_slice %arg4[%add3A_8, %dma_wait3A] : memref<1600000x128xf32, #tpu.memory_space<hbm>> -> memref<200x128xf32, #tpu.memory_space<hbm>>
    %dma_wait3A_10 = arith.constant 0 : i32
    %dma_wait3A_11 = tpu.memref_slice %arg4[%add3A_8, %dma_wait3A_10] : memref<1600000x128xf32, #tpu.memory_space<hbm>> -> memref<200x128xf32, #tpu.memory_space<hbm>>
    tpu.wait_dma2 semaphore(%arg10 : memref<!tpu.dma_semaphore, #tpu.memory_space<semaphore_mem>>) src(%arg7 : memref<200x128xf32, #tpu.memory_space<vmem>>) dst(%dma_wait3A_11 : memref<200x128xf32, #tpu.memory_space<hbm>>)
    %add3A_12 = arith.constant 49800 : i32
    %add3A_13 = arith.addi %mul3A_2, %add3A_12 : i32
    %dma_wait3A_14 = arith.constant 0 : i32
    %dma_wait3A_15 = tpu.memref_slice %arg4[%add3A_13, %dma_wait3A_14] : memref<1600000x128xf32, #tpu.memory_space<hbm>> -> memref<200x128xf32, #tpu.memory_space<hbm>>
    %dma_wait3A_16 = arith.constant 0 : i32
    %dma_wait3A_17 = tpu.memref_slice %arg4[%add3A_13, %dma_wait3A_16] : memref<1600000x128xf32, #tpu.memory_space<hbm>> -> memref<200x128xf32, #tpu.memory_space<hbm>>
    tpu.wait_dma2 semaphore(%arg11 : memref<!tpu.dma_semaphore, #tpu.memory_space<semaphore_mem>>) src(%arg8 : memref<200x128xf32, #tpu.memory_space<vmem>>) dst(%dma_wait3A_17 : memref<200x128xf32, #tpu.memory_space<hbm>>)
    return
  }
}

module attributes {stable_mosaic.version = 14 : i64} {
  func.func @_tc_body(%arg0: i32, %arg1: memref<12800x128xf32, #tpu.memory_space<vmem>>, %arg2: memref<12800x4xf32, #tpu.memory_space<vmem>>, %arg3: memref<4x32xf32, #tpu.memory_space<vmem>>, %arg4: memref<8x32xf32, #tpu.memory_space<vmem>>, %arg5: memref<32x896xf32, #tpu.memory_space<vmem>>, %arg6: memref<896x32xf32, #tpu.memory_space<vmem>>, %arg7: memref<400x32xf32, #tpu.memory_space<vmem>>) attributes {dimension_semantics = [#tpu.dimension_semantics<arbitrary>], iteration_bounds = array<i64: 125>, scalar_prefetch = 0 : i64, scratch_operands = 0 : i64, tpu.core_type = #tpu.core_type<tc>, window_params = [{transform_indices = @transform_0, window_bounds = array<i64: 12800, 128>}, {transform_indices = @transform_1, window_bounds = array<i64: 12800, 4>}, {pipeline_mode = #tpu.pipeline_mode<synchronous>, transform_indices = @transform_2, window_bounds = array<i64: 4, 32>}, {pipeline_mode = #tpu.pipeline_mode<synchronous>, transform_indices = @transform_3, window_bounds = array<i64: 8, 32>}, {pipeline_mode = #tpu.pipeline_mode<synchronous>, transform_indices = @transform_4, window_bounds = array<i64: 32, 896>}, {pipeline_mode = #tpu.pipeline_mode<synchronous>, transform_indices = @transform_5, window_bounds = array<i64: 896, 32>}, {transform_indices = @transform_6, window_bounds = array<i64: 400, 32>}]} {
    %get3A = arith.constant 0 : index
    %get3A_0 = arith.constant 0 : index
    %get3A_1 = vector.load %arg1[%get3A, %get3A_0] : memref<12800x128xf32, #tpu.memory_space<vmem>>, vector<12800x128xf32>
    %slice3A = vector.extract_strided_slice %get3A_1 {offsets = [0, 0], sizes = [12800, 32], strides = [1, 1]} : vector<12800x128xf32> to vector<12800x32xf32>
    %slice3A_2 = vector.extract_strided_slice %get3A_1 {offsets = [0, 32], sizes = [12800, 4], strides = [1, 1]} : vector<12800x128xf32> to vector<12800x4xf32>
    %get3A_3 = arith.constant 0 : index
    %get3A_4 = arith.constant 0 : index
    %get3A_5 = vector.load %arg2[%get3A_3, %get3A_4] : memref<12800x4xf32, #tpu.memory_space<vmem>>, vector<12800x4xf32>
    %sub3A = arith.subf %slice3A_2, %get3A_5 : vector<12800x4xf32>
    %slice3A_6 = vector.extract_strided_slice %sub3A {offsets = [0, 0], sizes = [12800, 1], strides = [1, 1]} : vector<12800x4xf32> to vector<12800x1xf32>
    %get3A_7 = arith.constant 0 : index
    %get3A_8 = arith.constant 0 : index
    %get3A_9 = vector.load %arg3[%get3A_7, %get3A_8] : memref<4x32xf32, #tpu.memory_space<vmem>>, vector<1x32xf32>
    %mul3A = vector.broadcast %slice3A_6 : vector<12800x1xf32> to vector<12800x32xf32>
    %mul3A_10 = vector.broadcast %get3A_9 : vector<1x32xf32> to vector<12800x32xf32>
    %mul3A_11 = arith.mulf %mul3A, %mul3A_10 : vector<12800x32xf32>
    %slice3A_12 = vector.extract_strided_slice %sub3A {offsets = [0, 1], sizes = [12800, 1], strides = [1, 1]} : vector<12800x4xf32> to vector<12800x1xf32>
    %get3A_13 = arith.constant 1 : index
    %get3A_14 = arith.constant 0 : index
    %get3A_15 = vector.load %arg3[%get3A_13, %get3A_14] : memref<4x32xf32, #tpu.memory_space<vmem>>, vector<1x32xf32>
    %mul3A_16 = vector.broadcast %slice3A_12 : vector<12800x1xf32> to vector<12800x32xf32>
    %mul3A_17 = vector.broadcast %get3A_15 : vector<1x32xf32> to vector<12800x32xf32>
    %mul3A_18 = arith.mulf %mul3A_16, %mul3A_17 : vector<12800x32xf32>
    %add3A = arith.addf %mul3A_11, %mul3A_18 : vector<12800x32xf32>
    %slice3A_19 = vector.extract_strided_slice %sub3A {offsets = [0, 2], sizes = [12800, 1], strides = [1, 1]} : vector<12800x4xf32> to vector<12800x1xf32>
    %get3A_20 = arith.constant 2 : index
    %get3A_21 = arith.constant 0 : index
    %get3A_22 = vector.load %arg3[%get3A_20, %get3A_21] : memref<4x32xf32, #tpu.memory_space<vmem>>, vector<1x32xf32>
    %mul3A_23 = vector.broadcast %slice3A_19 : vector<12800x1xf32> to vector<12800x32xf32>
    %mul3A_24 = vector.broadcast %get3A_22 : vector<1x32xf32> to vector<12800x32xf32>
    %mul3A_25 = arith.mulf %mul3A_23, %mul3A_24 : vector<12800x32xf32>
    %add3A_26 = arith.addf %add3A, %mul3A_25 : vector<12800x32xf32>
    %mul3A_27 = arith.mulf %sub3A, %sub3A : vector<12800x4xf32>
    %reduce_sum3A = arith.constant dense<0.000000e+00> : vector<12800xf32>
    %reduce_sum3A_28 = vector.multi_reduction <add>, %mul3A_27, %reduce_sum3A [1] : vector<12800x4xf32> to vector<12800xf32>
    %broadcast_in_dim3A = vector.shape_cast %reduce_sum3A_28 : vector<12800xf32> to vector<12800x1xf32>
    %mul3A_29 = arith.constant 2.000000e+00 : f32
    %mul3A_30 = vector.broadcast %mul3A_29 : f32 to vector<12800x32xf32>
    %mul3A_31 = arith.mulf %mul3A_30, %add3A_26 : vector<12800x32xf32>
    %sub3A_32 = vector.broadcast %broadcast_in_dim3A : vector<12800x1xf32> to vector<12800x32xf32>
    %sub3A_33 = arith.subf %sub3A_32, %mul3A_31 : vector<12800x32xf32>
    %get3A_34 = arith.constant 0 : index
    %get3A_35 = arith.constant 0 : index
    %get3A_36 = vector.load %arg4[%get3A_34, %get3A_35] : memref<8x32xf32, #tpu.memory_space<vmem>>, vector<1x32xf32>
    %add3A_37 = vector.broadcast %get3A_36 : vector<1x32xf32> to vector<12800x32xf32>
    %add3A_38 = arith.addf %sub3A_33, %add3A_37 : vector<12800x32xf32>
    %max3A = arith.constant 0.000000e+00 : f32
    %max3A_39 = vector.broadcast %max3A : f32 to vector<12800x32xf32>
    %max3A_40 = arith.maximumf %add3A_38, %max3A_39 : vector<12800x32xf32>
    %sqrt3A = math.sqrt %max3A_40 : vector<12800x32xf32>
    %mul3A_41 = arith.constant 1.15470052 : f32
    %mul3A_42 = vector.broadcast %mul3A_41 : f32 to vector<12800x32xf32>
    %mul3A_43 = arith.mulf %sqrt3A, %mul3A_42 : vector<12800x32xf32>
    %sub3A_44 = arith.constant 1.000000e+00 : f32
    %sub3A_45 = vector.broadcast %sub3A_44 : f32 to vector<12800x32xf32>
    %sub3A_46 = arith.subf %sub3A_45, %mul3A_43 : vector<12800x32xf32>
    %max3A_47 = arith.constant 0.000000e+00 : f32
    %max3A_48 = vector.broadcast %max3A_47 : f32 to vector<12800x32xf32>
    %max3A_49 = arith.maximumf %sub3A_46, %max3A_48 : vector<12800x32xf32>
    %concatenate3A = tpu.concatenate %slice3A, %slice3A, %slice3A, %slice3A in 1 : vector<12800x32xf32>, vector<12800x32xf32>, vector<12800x32xf32>, vector<12800x32xf32> -> vector<12800x128xf32>
    %get3A_50 = arith.constant 0 : index
    %get3A_51 = arith.constant 0 : index
    %get3A_52 = vector.load %arg5[%get3A_50, %get3A_51] : memref<32x896xf32, #tpu.memory_space<vmem>>, vector<32x896xf32>
    %dot_general3A = arith.constant dense<0.000000e+00> : vector<12800x896xf32>
    %dot_general3A_53 = tpu.matmul %max3A_49, %get3A_52, %dot_general3A {dimension_numbers = #tpu.dot_dimension_numbers<[1], [0], [0], [1], [0, 0, 1, 1], [], []>, transpose_lhs_hint = false} : vector<12800x32xf32>, vector<32x896xf32>, vector<12800x896xf32> -> vector<12800x896xf32>
    %slice3A_54 = vector.extract_strided_slice %dot_general3A_53 {offsets = [0, 0], sizes = [12800, 128], strides = [1, 1]} : vector<12800x896xf32> to vector<12800x128xf32>
    %mul3A_55 = arith.mulf %slice3A_54, %concatenate3A : vector<12800x128xf32>
    %reshape3A = vector.shape_cast %mul3A_55 : vector<12800x128xf32> to vector<400x32x128xf32>
    %reduce_sum3A_56 = arith.constant dense<0.000000e+00> : vector<400x128xf32>
    %reduce_sum3A_57 = vector.multi_reduction <add>, %reshape3A, %reduce_sum3A_56 [1] : vector<400x32x128xf32> to vector<400x128xf32>
    %slice3A_58 = vector.extract_strided_slice %dot_general3A_53 {offsets = [0, 128], sizes = [12800, 128], strides = [1, 1]} : vector<12800x896xf32> to vector<12800x128xf32>
    %mul3A_59 = arith.mulf %slice3A_58, %concatenate3A : vector<12800x128xf32>
    %reshape3A_60 = vector.shape_cast %mul3A_59 : vector<12800x128xf32> to vector<400x32x128xf32>
    %reduce_sum3A_61 = arith.constant dense<0.000000e+00> : vector<400x128xf32>
    %reduce_sum3A_62 = vector.multi_reduction <add>, %reshape3A_60, %reduce_sum3A_61 [1] : vector<400x32x128xf32> to vector<400x128xf32>
    %slice3A_63 = vector.extract_strided_slice %dot_general3A_53 {offsets = [0, 256], sizes = [12800, 128], strides = [1, 1]} : vector<12800x896xf32> to vector<12800x128xf32>
    %mul3A_64 = arith.mulf %slice3A_63, %concatenate3A : vector<12800x128xf32>
    %reshape3A_65 = vector.shape_cast %mul3A_64 : vector<12800x128xf32> to vector<400x32x128xf32>
    %reduce_sum3A_66 = arith.constant dense<0.000000e+00> : vector<400x128xf32>
    %reduce_sum3A_67 = vector.multi_reduction <add>, %reshape3A_65, %reduce_sum3A_66 [1] : vector<400x32x128xf32> to vector<400x128xf32>
    %slice3A_68 = vector.extract_strided_slice %dot_general3A_53 {offsets = [0, 384], sizes = [12800, 128], strides = [1, 1]} : vector<12800x896xf32> to vector<12800x128xf32>
    %mul3A_69 = arith.mulf %slice3A_68, %concatenate3A : vector<12800x128xf32>
    %reshape3A_70 = vector.shape_cast %mul3A_69 : vector<12800x128xf32> to vector<400x32x128xf32>
    %reduce_sum3A_71 = arith.constant dense<0.000000e+00> : vector<400x128xf32>
    %reduce_sum3A_72 = vector.multi_reduction <add>, %reshape3A_70, %reduce_sum3A_71 [1] : vector<400x32x128xf32> to vector<400x128xf32>
    %slice3A_73 = vector.extract_strided_slice %dot_general3A_53 {offsets = [0, 512], sizes = [12800, 128], strides = [1, 1]} : vector<12800x896xf32> to vector<12800x128xf32>
    %mul3A_74 = arith.mulf %slice3A_73, %concatenate3A : vector<12800x128xf32>
    %reshape3A_75 = vector.shape_cast %mul3A_74 : vector<12800x128xf32> to vector<400x32x128xf32>
    %reduce_sum3A_76 = arith.constant dense<0.000000e+00> : vector<400x128xf32>
    %reduce_sum3A_77 = vector.multi_reduction <add>, %reshape3A_75, %reduce_sum3A_76 [1] : vector<400x32x128xf32> to vector<400x128xf32>
    %slice3A_78 = vector.extract_strided_slice %dot_general3A_53 {offsets = [0, 640], sizes = [12800, 128], strides = [1, 1]} : vector<12800x896xf32> to vector<12800x128xf32>
    %mul3A_79 = arith.mulf %slice3A_78, %concatenate3A : vector<12800x128xf32>
    %reshape3A_80 = vector.shape_cast %mul3A_79 : vector<12800x128xf32> to vector<400x32x128xf32>
    %reduce_sum3A_81 = arith.constant dense<0.000000e+00> : vector<400x128xf32>
    %reduce_sum3A_82 = vector.multi_reduction <add>, %reshape3A_80, %reduce_sum3A_81 [1] : vector<400x32x128xf32> to vector<400x128xf32>
    %slice3A_83 = vector.extract_strided_slice %dot_general3A_53 {offsets = [0, 768], sizes = [12800, 128], strides = [1, 1]} : vector<12800x896xf32> to vector<12800x128xf32>
    %mul3A_84 = arith.mulf %slice3A_83, %concatenate3A : vector<12800x128xf32>
    %reshape3A_85 = vector.shape_cast %mul3A_84 : vector<12800x128xf32> to vector<400x32x128xf32>
    %reduce_sum3A_86 = arith.constant dense<0.000000e+00> : vector<400x128xf32>
    %reduce_sum3A_87 = vector.multi_reduction <add>, %reshape3A_85, %reduce_sum3A_86 [1] : vector<400x32x128xf32> to vector<400x128xf32>
    %concatenate3A_88 = tpu.concatenate %reduce_sum3A_57, %reduce_sum3A_62, %reduce_sum3A_67, %reduce_sum3A_72, %reduce_sum3A_77, %reduce_sum3A_82, %reduce_sum3A_87 in 1 : vector<400x128xf32>, vector<400x128xf32>, vector<400x128xf32>, vector<400x128xf32>, vector<400x128xf32>, vector<400x128xf32>, vector<400x128xf32> -> vector<400x896xf32>
    %get3A_89 = arith.constant 0 : index
    %get3A_90 = arith.constant 0 : index
    %get3A_91 = vector.load %arg6[%get3A_89, %get3A_90] : memref<896x32xf32, #tpu.memory_space<vmem>>, vector<896x32xf32>
    %dot_general3A_92 = arith.constant dense<0.000000e+00> : vector<400x32xf32>
    %dot_general3A_93 = tpu.matmul %concatenate3A_88, %get3A_91, %dot_general3A_92 {dimension_numbers = #tpu.dot_dimension_numbers<[1], [0], [0], [1], [0, 0, 1, 1], [], []>, precision = #tpu.contract_precision<fp32>, transpose_lhs_hint = false} : vector<400x896xf32>, vector<896x32xf32>, vector<400x32xf32> -> vector<400x32xf32>
    %swap3A = arith.constant 0 : index
    %swap3A_94 = arith.constant 0 : index
    %swap3A_95 = vector.load %arg7[%swap3A, %swap3A_94] : memref<400x32xf32, #tpu.memory_space<vmem>>, vector<400x32xf32>
    tpu.vector_store %arg7[%swap3A, %swap3A_94], %dot_general3A_93 {strides = array<i32>} : memref<400x32xf32, #tpu.memory_space<vmem>>, vector<400x32xf32>,
    return
  }
  func.func @transform_0(%arg0: i32) -> (i32, i32) {
    %c0_i32 = arith.constant 0 : i32
    %c0_i32_0 = arith.constant 0 : i32
    return %arg0, %c0_i32 : i32, i32
  }
  func.func @transform_1(%arg0: i32) -> (i32, i32) {
    %c0_i32 = arith.constant 0 : i32
    %c0_i32_0 = arith.constant 0 : i32
    return %arg0, %c0_i32 : i32, i32
  }
  func.func @transform_2(%arg0: i32) -> (i32, i32) {
    %c0_i32 = arith.constant 0 : i32
    %c0_i32_0 = arith.constant 0 : i32
    %c0_i32_1 = arith.constant 0 : i32
    return %c0_i32, %c0_i32_0 : i32, i32
  }
  func.func @transform_3(%arg0: i32) -> (i32, i32) {
    %c0_i32 = arith.constant 0 : i32
    %c0_i32_0 = arith.constant 0 : i32
    %c0_i32_1 = arith.constant 0 : i32
    return %c0_i32, %c0_i32_0 : i32, i32
  }
  func.func @transform_4(%arg0: i32) -> (i32, i32) {
    %c0_i32 = arith.constant 0 : i32
    %c0_i32_0 = arith.constant 0 : i32
    %c0_i32_1 = arith.constant 0 : i32
    return %c0_i32, %c0_i32_0 : i32, i32
  }
  func.func @transform_5(%arg0: i32) -> (i32, i32) {
    %c0_i32 = arith.constant 0 : i32
    %c0_i32_0 = arith.constant 0 : i32
    %c0_i32_1 = arith.constant 0 : i32
    return %c0_i32, %c0_i32_0 : i32, i32
  }
  func.func @transform_6(%arg0: i32) -> (i32, i32) {
    %c0_i32 = arith.constant 0 : i32
    %c0_i32_0 = arith.constant 0 : i32
    return %arg0, %c0_i32 : i32, i32
  }
}

</mosaic_0001>

<sc_bundles>
// kernel: kernel.4.cloned.1.call-start
scs
__scs_entry_jumppad:
0x0: {  	(pc) =	sbr.rel $0x88, $3  }
0x1: {  	(tag) =	ssettag $0x0;
	lr =	simm.s32 $0x1  }
0x2: {  	[smem:$0x3F9B] =	sst lr;
	_ =	strace $0xD0000000  }
0x3: {  	_ = 	snop  }
0x4: {  	_ = 	snop  }
0x5: {  	_ = 	snop  }
0x6: {  	_ = 	snop  }
0x7: {  	_ = 	snop  }
__scs_overlays_trampoline_lowered:
0x8: {  	[smem:$0x3FAA] =	sst s0  }
0x9: {  	[smem:$0x3FAB] =	sst s1  }
0xa: {  	[smem:$0x3FAC] =	sst s2  }
0xb: {  	[smem:$0x3FAD] =	sst s3  }
0xc: {  	[smem:$0x3FAE] =	sst s4  }
0xd: {  	[smem:$0x3FAF] =	sst s5  }
0xe: {  	[smem:$0x3FB0] =	sst s6  }
0xf: {  	[smem:$0x3FB1] =	sst s7  }
0x10: {  	[smem:$0x3FB2] =	sst s8  }
0x11: {  	[smem:$0x3FB3] =	sst s9;
	s0 =	simm.s32 @!p0 $0x0  }
0x12: {  	s1 =	sld [smem:$0x3F99];
	s0 =	simm.s32 @p0 $0x1  }
0x13: {  	[smem:$0x3FB4] =	sst s0;
	s0 =	simm.s32 @!p1 $0x0  }
0x14: {  	s2 =	sld [smem:$0x3F98];
	s0 =	simm.s32 @p1 $0x1  }
0x15: {  	[smem:$0x3FB5] =	sst s0;
	s0 =	simm.s32 @!p2 $0x0  }
0x16: {  	s3 =	sld [smem:$0x3FDB];
	s0 =	simm.s32 @p2 $0x1  }
0x17: {  	s4 =	simm.s32 $0x1BF5;
	[smem:$0x3FB7] =	sst s0  }
0x18: {  	s0 =	sld [smem:$0x3F9A];
	_ =	swait.ge [sflag:s4], $0x0  }
0x19: {  	s7 =	sld [smem:$0x3F9B]  }
0x1a: {  	s8 =	sadd.s32 $0xFFFFE003, lr  }
0x1b: {  	s9 =	sadd.s32 $0xFFFFFEF7, lr;
	s5 =	simm.s32 $0xFFFFFFFF;
	p2 =	slt.u32 s8, $0xFFFFF086  }
0x1c: {  	p1 =	slt.u32 s9, $0xF7A;
	s5 =	simm.s32 @!p2 $0x0  }
0x1d: {  	s5 =	simm.s32 @p1 $0x1;
	p0 =	seq.s32 s7, s2  }
0x1e: {  	s7 =	smul.u32 @!p0 $0xF7A, s2;
	p2 =	seq.s32 @!p0 s5, $0x0  }
0x1f: {  	s9 =	smul.u32 $0xF7A, s1;
	s8 =	simm.s32 @!p0 $0x1BF5;
	p2 =	por !p2, p0  }
0x20: {  	[sflag:s8] =	ssyncset.s32 @!p0 $0xFFFFF086;
	s6 =	sadd.s32 @!p0 s3, s7;
	s7 =	simm.s32 @!p0 $0x108  }
0x21: {  	s3 =	sadd.s32 s3, s9;
	s6 =	sadd.s32 @!p0 $0x88, s6;
	s7 =	simm.s32 @p2 $0x1082  }
0x22: {  	[simem:s7], [sflag:s8] =	dma.local @!p0 [hbm:s6], $0xF7A  }
0x23: {  	s9 =	sor.u32 $0xD0000000, s2;
	s6 =	simm.s32 $0x108;
	_ =	swait.ge @!p0 [sflag:s8], $0x0  }
0x24: {  	s3 =	sadd.s32 $0x88, s3;
	s6 =	simm.s32 @!p1 $0x1082;
	[sflag:s4] =	ssyncset.s32 $0xFFFFF086  }
0x25: {  	[simem:s6], [sflag:s4] =	dma.local [hbm:s3], $0xF7A  }
0x26: {  	[smem:$0x3F9B] =	sst s1;
	(tag) =	ssettag s2;
	_ =	strace s9  }
0x27: {  	s1 =	sld [smem:$0x3FAB]  }
0x28: {  	s2 =	sld [smem:$0x3FAC]  }
0x29: {  	s4 =	sld [smem:$0x3FAE]  }
0x2a: {  	p0 =	seq.s32 s5, $0x0;
	s5 =	sld [smem:$0x3FAF]  }
0x2b: {  	s6 =	sld [smem:$0x3FB0]  }
0x2c: {  	s7 =	sld [smem:$0x3FB1]  }
0x2d: {  	s3 =	simm.s32 $0x108;
	s8 =	sld [smem:$0x3FB2]  }
0x2e: {  	s3 =	simm.s32 @!p0 $0x1082;
	s9 =	sld [smem:$0x3FB3]  }
0x2f: {  	lr =	sadd.s32 s0, s3;
	s0 =	sld [smem:$0x3FAA]  }
0x30: {  	s3 =	sld [smem:$0x3FAD]  }
0x31: {  	[smem:$0x3FB6] =	sst s10  }
0x32: {  	s10 =	sld [smem:$0x3FB4];
	_ =	sdelay $0x3  }
0x33: {  	p0 =	seq.s32 s10, $0x1;
	s10 =	sld [smem:$0x3FB6];
	_ =	sdelay $0x3  }
0x34: {  	[smem:$0x3FB6] =	sst s10  }
0x35: {  	s10 =	sld [smem:$0x3FB5];
	_ =	sdelay $0x3  }
0x36: {  	p1 =	seq.s32 s10, $0x1;
	s10 =	sld [smem:$0x3FB6];
	_ =	sdelay $0x3  }
0x37: {  	[smem:$0x3FB6] =	sst s10  }
0x38: {  	s10 =	sld [smem:$0x3FB7]  }
0x39: {  	_ = 	snop;
	(pc) =	sbr.ind lr, $3  }
0x3a: {  	_ = 	snop  }
0x3b: {  	_ = 	snop  }
0x3c: {  	p2 =	seq.s32 s10, $0x1;
	s10 =	sld [smem:$0x3FB6]  }
0x3d: {  	_ =	shalt  }
0x3e: {  	_ =	shalt  }
0x3f: {  	_ =	shalt  }
0x40: {  	_ =	shalt  }
0x41: {  	_ =	shalt  }
0x42: {  	_ =	shalt  }
0x43: {  	_ =	shalt  }
0x44: {  	_ =	shalt  }
0x45: {  	_ =	shalt  }
0x46: {  	_ =	shalt  }
0x47: {  	_ =	shalt  }
0x48: {  	_ =	shalt  }
0x49: {  	_ =	shalt  }
0x4a: {  	_ =	shalt  }
0x4b: {  	_ =	shalt  }
0x4c: {  	_ =	shalt  }
0x4d: {  	_ =	shalt  }
0x4e: {  	_ =	shalt  }
0x4f: {  	_ =	shalt  }
0x50: {  	_ =	shalt  }
0x51: {  	_ =	shalt  }
0x52: {  	_ =	shalt  }
0x53: {  	_ =	shalt  }
0x54: {  	_ =	shalt  }
0x55: {  	_ =	shalt  }
0x56: {  	_ =	shalt  }
0x57: {  	_ =	shalt  }
0x58: {  	_ =	shalt  }
0x59: {  	_ =	shalt  }
0x5a: {  	_ =	shalt  }
0x5b: {  	_ =	shalt  }
0x5c: {  	_ =	shalt  }
0x5d: {  	_ =	shalt  }
0x5e: {  	_ =	shalt  }
0x5f: {  	_ =	shalt  }
0x60: {  	_ =	shalt  }
0x61: {  	_ =	shalt  }
0x62: {  	_ =	shalt  }
0x63: {  	_ =	shalt  }
0x64: {  	_ =	shalt  }
0x65: {  	_ =	shalt  }
0x66: {  	_ =	shalt  }
0x67: {  	_ =	shalt  }
0x68: {  	_ =	shalt  }
0x69: {  	_ =	shalt  }
0x6a: {  	_ =	shalt  }
0x6b: {  	_ =	shalt  }
0x6c: {  	_ =	shalt  }
0x6d: {  	_ =	shalt  }
0x6e: {  	_ =	shalt  }
0x6f: {  	_ =	shalt  }
0x70: {  	_ =	shalt  }
0x71: {  	_ =	shalt  }
0x72: {  	_ =	shalt  }
0x73: {  	_ =	shalt  }
0x74: {  	_ =	shalt  }
0x75: {  	_ =	shalt  }
0x76: {  	_ =	shalt  }
0x77: {  	_ =	shalt  }
0x78: {  	_ =	shalt  }
0x79: {  	_ =	shalt  }
0x7a: {  	_ =	shalt  }
0x7b: {  	_ =	shalt  }
0x7c: {  	_ =	shalt  }
0x7d: {  	_ =	shalt  }
0x7e: {  	_ =	shalt  }
0x7f: {  	_ =	shalt  }
0x80: {  	_ =	shalt  }
0x81: {  	_ =	shalt  }
0x82: {  	_ =	shalt  }
0x83: {  	_ =	shalt  }
0x84: {  	_ =	shalt  }
0x85: {  	_ =	shalt  }
0x86: {  	_ =	shalt  }
0x87: {  	_ =	shalt  }
.Lfunc_end0:
.L_simem_size_0:
called_computation_lowered:
.L_overlay_start_0:
0x88: {  	s2 =	sld [smem:$0x3FD9]  }
0x89: {  	s3 =	sld [smem:$0x3FFE];
	_ =	sdelay $0x1  }
0x8a: {  	s1 =	srdreg.scid  }
0x8b: {  	s0 =	sand.u32 $0x1, s1  }
0x8c: {  	s17 =	sshll.u32 s0, $0xA;
	s2 =	sadd.s32 s3, s2  }
0x8d: {  	s2 =	sadd.s32 s2, s17  }
0x8e: {  	[smem:$0x3FC2] =	sst s2  }
0x8f: {  	_ = 	snop  }
0x90: {  	s2 =	sld [smem:$0x3FD0];
	(tm) =	ssettm $0x1  }
0x91: {  	s18 =	sld [smem:$0x3FFB];
	_ =	sdelay $0x3  }
0x92: {  	_ =	strace s18  }
0x93: {  	s3 =	sld [smem:$0x3FFC];
	_ =	sdelay $0x3  }
0x94: {  	_ =	strace s3  }
0x95: {  	s3 =	sld [smem:$0x3FFD];
	_ =	sdelay $0x3  }
0x96: {  	_ =	strace s3  }
0x97: {  	_ =	strace $0x8FFFFFFF  }
0x98: {  	s19 =	sld [smem:$0x3FDB];
	_ =	sdelay $0x1  }
0x99: {  	s4 =	simm.s32 $_scs_section_size  }
0x9a: {  	s5 =	simm.s32 $_size__tile_overlayer_lowered;
	s6 =	simm.s32 $_tile_overlayer_lowered  }
0x9b: {  	s22 =	simm.s32 $0x1BFF;
	s21 =	sshll.u32 s6, $0x1;
	s3 =	sadd.s32 s4, s19  }
0x9c: {  	s7 =	simm.s32 $0x0;
	s20 =	sshll.u32 s5, $0x1;
	s5 =	sadd.s32 s21, s3  }
0x9d: {  	[timem:s7], [sflag:s22] =	dma.local [hbm:s5], s20  }
0x9e: {  	_ =	swait.ge [sflag:s22], s20  }
0x9f: {  	s4 =	ssub.s32 $0x0, s20;
	[sflag:s22] =	ssyncset.done $0x0  }
0xa0: {  	[sflag:s22] =	ssyncadd.s32 s4;
	_ =	sdelay $0x1  }
0xa1: {  	s23 =	simm.s32 $0x1B8B  }
0xa2: {  	_ =	swait.ge [sflag:s23], $0x1  }
0xa3: {  	[sflag:s23] =	ssyncset.done $0x0  }
0xa4: {  	s25 =	simm.s32 $0x1B8E;
	s24 =	sld [smem:$0x3FFE];
	[sflag:s23] =	ssyncadd.s32 $0xFFFFFFFF  }
0xa5: {  	s26 =	simm.s32 $execute0_lowered;
	[smem:$0x3FD2] =	sst s25  }
0xa6: {  	s5 =	sshll.u32 s26, $0x1;
	_ =	strace $0x80000046;
	[dreg:$0x1] =	wrdreg $0xFFFFFFFF  }
0xa7: {  	s28 =	simm.s32 $_size_execute0_lowered;
	s3 =	sadd.s32 s3, s5;
	[dreg:$0x0] =	wrdreg $0x0  }
0xa8: {  	s5 =	sshll.u32 s28, $0x1;
	[dreg:$0x2] =	wrdreg s3  }
0xa9: {  	[dreg:$0x3] =	wrdreg s5  }
0xaa: {  	[dreg:$0x4] =	wrdreg $0xC0  }
0xab: {  	_ =	task [dreg:s7], $0x5FFFF  }
0xac: {  	[dreg:$0x1] =	wrdreg $0xFFFFFFFF  }
0xad: {  	[dreg:$0x0] =	wrdreg $0x60  }
0xae: {  	[dreg:$0x2] =	wrdreg s24  }
0xaf: {  	[dreg:$0x3] =	wrdreg s2  }
0xb0: {  	[dreg:$0x4] =	wrdreg $0x9  }
0xb1: {  	_ =	task.clear_ibuf [dreg:s7], $0x5FFFF;
	_ =	strace $0x90000046  }
0xb2: {  	s29 =	simm.s32 $0x9;
	_ =	strace $0x80000048  }
0xb3: {  	_ =	swait.ge [sflag:s29], $0x1  }
0xb4: {  	[sflag:s29] =	ssyncadd.s32 $0xFFFFFFFF  }
0xb5: {  	_ =	strace $0x90000048  }
0xb6: {  	_ =	sfence  }
0xb7: {  	s30 =	sld [smem:$0x0];
	_ =	sdelay $0x2  }
0xb8: {  	s31 =	sshll.u32 s1, $0xD;
	s1 =	sshrl.u32 s1, $0x2  }
0xb9: {  	s3 =	sand.u32 $0x4000, s31;
	s1 =	sadd.s32 s1, s30  }
0xba: {  	s0 =	sor.u32 s3, s0;
	s1 =	sshll.u32 s1, $0x11  }
0xbb: {  	s0 =	sor.u32 s1, s0  }
0xbc: {  	s0 =	sadd.s32 $0x8F2B, s0  }
0xbd: {  	[sflag:s0] =	ssyncadd.remote.s32 $0x1  }
0xbe: {  	_ =	sfence.sel $0xFFFF  }
0xbf: {  	[dreg:$0x0] =	wrdreg $0xFFFFFFFF;
	(pc) =	sbr.abs _section_cstart, $3  }
0xc0: {  	[dreg:$0x1] =	wrdreg $0xFFFFFFFF  }
0xc1: {  	_ =	task.clear_ibuf [dreg:s7], $0x2FFFF;
	_ =	strace $0x9FFFFFFF  }
0xc2: {  	(tm) =	ssettm $0x7FFFFFFF  }
0xc3: {  	_ =	shalt  }
tec
execute0_lowered:
.L_overlay_start_1:
0x0: {  	(tag) =	ssettag $0x1  }
0x1: {  	s5 =	rddreg [dreg:$0x0]  }
0x2: {  	s2 =	rddreg [dreg:$0x1]  }
0x3: {  	s0 =	rddreg [dreg:$0x2]  }
0x4: {  	s3 =	simm.s32 $0x0;
	s4 =	srdreg.scid;
	s1 =	stileid.u32  }
0x5: {  	s16 =	simm.s32 $0x1;
	s17 =	simm.s32 $0x100;
	s18 =	simm.s32 $0x6600  }
0x6: {  	s19 =	simm.s32 $0x2;
	s20 =	simm.s32 $0x3;
	s25 =	smul.u32 $0x186A0, s1  }
0x7: {  	s21 =	simm.s32 $0x0;
	s9 =	sand.u32 $0x1, s4;
	s14 =	smul.u32 $0x186A00, s1  }
0x8: {  	[smem:$0x7FF] =	sst s3;
	s22 =	sshll.u32 s1, $0x1;
	s13 =	smul.u32 $0xC350, s9  }
0x9: {  	s4 =	sadd.s32 $0xC4400, s5;
	s7 =	sor.u32 s9, s22;
	s15 =	smul.u32 $0xC3500, s9  }
0xa: {  	s11 =	sadd.s32 $0x187A00, s5;
	s6 =	ssub.s32 $0x2, s9;
	s10 =	smul.u32 $0xC350, s7  }
0xb: {  	_ =	strace $0x80000047;
	s8 =	sshrl.u32 s6, $0x1;
	s7 =	smul.u32 $0xC3500, s7  }
0xc: {  	s29 =	sadd.s32 s14, s11;
	s14 =	simm.s32 $0xC8;
	s23 =	ssub.s32 s6, s8  }
0xd: {  	s13 =	sadd.s32 s13, s25;
	s12 =	sadd.s32 $0xC8, s10;
	s24 =	sshrl.u32 s10, $0x3  }
0xe: {  	s5 =	smax.u32 s23, $0x1;
	s7 =	sadd.s32 s11, s7;
	s30 =	sadd.s32 $0x258, s13  }
0xf: {  	s10 =	sadd.s32 s15, s29;
	s15 =	simm.s32 $0x200;
	s6 =	sadd.s32 s2, s24  }
0x10: {  	s26 =	sshrl.u32 s12, $0x3;
	s28 =	sshll.u32 s12, $0x4;
	s31 =	sshrl.u32 s30, $0x3  }
0x11: {  	s10 =	sadd.s32 $0x2580, s10;
	s12 =	sadd.s32 $0x190, s13;
	s13 =	simm.s32 $0x4  }
0x12: {  	s8 =	sadd.s32 s2, s26;
	s9 =	sadd.s32 s11, s28;
	s11 =	sadd.s32 s31, s2  }
.LBB2_1:
0x13: {  	[tilespmem:s3], [sflag:$0x4] =	stream.linear.gather [hbm4b:s6+s3], $0xC8, $0x38;
	[tilespmem:$0xCA00] =	vst v63  }
0x14: {  	_ =	swait.ge [sflag:s13], $0xC8  }
0x15: {  	[sflag:s13] =	ssyncset.done $0x0  }
0x16: {  	[sflag:s13] =	ssyncadd.s32 $0xFFFFFF38  }
0x17: {  	[tilespmem:s15], [sflag:$0x1] =	stream.indirect.gather [hbm4b:s4+s14], $0x80, s3, s14, $0xb8;
	[tilespmem:$0xCA00] =	vst v63  }
0x18: {  	_ =	swait.ge [sflag:s16], $0x6400  }
0x19: {  	[sflag:s16] =	ssyncset.done $0x0  }
0x1a: {  	[sflag:s16] =	ssyncadd.s32 $0xFFFF9C00  }
0x1b: {  	[hbm4b:s7+s3] =	stream.linear.scatter [tilespmem:s15], [sflag:$0x2], $0x6400, $0x38;
	[tilespmem:$0xCA00] =	vst v63  }
0x1c: {  	_ = 	snop  }
0x1d: {  	[tilespmem:s17], [sflag:$0x4] =	stream.linear.gather [hbm4b:s8+s3], $0xC8, $0x38;
	[tilespmem:$0xCA00] =	vst v63  }
0x1e: {  	_ =	swait.ge [sflag:s13], $0xC8  }
0x1f: {  	[sflag:s13] =	ssyncset.done $0x0  }
0x20: {  	[sflag:s13] =	ssyncadd.s32 $0xFFFFFF38  }
0x21: {  	[tilespmem:s18], [sflag:$0x1] =	stream.indirect.gather [hbm4b:s4+s14], $0x80, s17, s14, $0xb8;
	[tilespmem:$0xCA00] =	vst v63  }
0x22: {  	_ =	swait.ge [sflag:s16], $0x6400  }
0x23: {  	[sflag:s16] =	ssyncset.done $0x0  }
0x24: {  	[sflag:s16] =	ssyncadd.s32 $0xFFFF9C00  }
0x25: {  	[hbm4b:s9+s3] =	stream.linear.scatter [tilespmem:s18], [sflag:$0x3], $0x6400, $0x38;
	[tilespmem:$0xCA00] =	vst v63  }
0x26: {  	_ =	swait.ge [sflag:s19], $0x6400  }
0x27: {  	s22 =	sshrl.u32 s12, $0x3;
	[sflag:s19] =	ssyncset.done $0x0  }
0x28: {  	s22 =	sadd.s32 s2, s22;
	[sflag:s19] =	ssyncadd.s32 $0xFFFF9C00  }
0x29: {  	[tilespmem:s3], [sflag:$0x4] =	stream.linear.gather [hbm4b:s22+s3], $0xC8, $0x38;
	[tilespmem:$0xCA00] =	vst v63  }
0x2a: {  	_ =	swait.ge [sflag:s13], $0xC8  }
0x2b: {  	[sflag:s13] =	ssyncset.done $0x0  }
0x2c: {  	[sflag:s13] =	ssyncadd.s32 $0xFFFFFF38  }
0x2d: {  	[tilespmem:s15], [sflag:$0x1] =	stream.indirect.gather [hbm4b:s4+s14], $0x80, s3, s14, $0xb8;
	[tilespmem:$0xCA00] =	vst v63  }
0x2e: {  	_ =	swait.ge [sflag:s16], $0x6400  }
0x2f: {  	[sflag:s16] =	ssyncset.done $0x0  }
0x30: {  	s30 =	sadd.s32 $0xFFFFF380, s10;
	[sflag:s16] =	ssyncadd.s32 $0xFFFF9C00  }
0x31: {  	[hbm4b:s30+s3] =	stream.linear.scatter [tilespmem:s15], [sflag:$0x2], $0x6400, $0x38;
	[tilespmem:$0xCA00] =	vst v63  }
0x32: {  	_ =	swait.ge [sflag:s20], $0x6400  }
0x33: {  	[sflag:s20] =	ssyncset.done $0x0  }
0x34: {  	s31 =	sadd.s32 $0x0, s11;
	[sflag:s20] =	ssyncadd.s32 $0xFFFF9C00  }
0x35: {  	[tilespmem:s17], [sflag:$0x4] =	stream.linear.gather [hbm4b:s31+s3], $0xC8, $0x38;
	[tilespmem:$0xCA00] =	vst v63  }
0x36: {  	_ =	swait.ge [sflag:s13], $0xC8  }
0x37: {  	[sflag:s13] =	ssyncset.done $0x0  }
0x38: {  	[sflag:s13] =	ssyncadd.s32 $0xFFFFFF38  }
0x39: {  	[tilespmem:s18], [sflag:$0x1] =	stream.indirect.gather [hbm4b:s4+s14], $0x80, s17, s14, $0xb8;
	[tilespmem:$0xCA00] =	vst v63  }
0x3a: {  	_ =	swait.ge [sflag:s16], $0x6400  }
0x3b: {  	s23 =	sadd.s32 $0x1900, s10;
	s24 =	sadd.s32 $0x190, s12;
	[sflag:s16] =	ssyncset.done $0x0  }
0x3c: {  	s25 =	smov.u32 s10;
	s22 =	simm.s32 $0x32;
	[sflag:s16] =	ssyncadd.s32 $0xFFFF9C00  }
.LBB2_2:
0x3d: {  	[hbm4b:s25+s3] =	stream.linear.scatter [tilespmem:s18], [sflag:$0x3], $0x6400, $0x38;
	[tilespmem:$0xCA00] =	vst v63  }
0x3e: {  	s26 =	smov.u32 s22;
	s25 =	smov.u32 s23  }
0x3f: {  	p0 =	sne.s32 s22, $0x1806;
	s22 =	sadd.s32 $0x32, s22;
	_ =	swait.ge [sflag:s19], $0x6400  }
0x40: {  	s28 =	sshrl.u32 s24, $0x3;
	[sflag:s19] =	ssyncset.done $0x0  }
0x41: {  	s28 =	sadd.s32 s2, s28;
	[sflag:s19] =	ssyncadd.s32 $0xFFFF9C00  }
0x42: {  	[tilespmem:s3], [sflag:$0x4] =	stream.linear.gather [hbm4b:s28+s3], $0xC8, $0x38;
	[tilespmem:$0xCA00] =	vst v63  }
0x43: {  	_ =	swait.ge [sflag:s13], $0xC8  }
0x44: {  	[sflag:s13] =	ssyncset.done $0x0  }
0x45: {  	[sflag:s13] =	ssyncadd.s32 $0xFFFFFF38  }
0x46: {  	[tilespmem:s15], [sflag:$0x1] =	stream.indirect.gather [hbm4b:s4+s14], $0x80, s3, s14, $0xb8;
	[tilespmem:$0xCA00] =	vst v63  }
0x47: {  	_ =	swait.ge [sflag:s16], $0x6400  }
0x48: {  	[sflag:s16] =	ssyncset.done $0x0  }
0x49: {  	s28 =	sadd.s32 $0xFFFFF380, s23;
	[sflag:s16] =	ssyncadd.s32 $0xFFFF9C00  }
0x4a: {  	[hbm4b:s28+s3] =	stream.linear.scatter [tilespmem:s15], [sflag:$0x2], $0x6400, $0x38;
	[tilespmem:$0xCA00] =	vst v63  }
0x4b: {  	_ =	swait.ge [sflag:s20], $0x6400  }
0x4c: {  	[sflag:s20] =	ssyncset.done $0x0  }
0x4d: {  	s26 =	sadd.s32 s26, s11;
	[sflag:s20] =	ssyncadd.s32 $0xFFFF9C00  }
0x4e: {  	[tilespmem:s17], [sflag:$0x4] =	stream.linear.gather [hbm4b:s26+s3], $0xC8, $0x38;
	[tilespmem:$0xCA00] =	vst v63  }
0x4f: {  	_ =	swait.ge [sflag:s13], $0xC8  }
0x50: {  	[sflag:s13] =	ssyncset.done $0x0  }
.Ltmp0:
0x51: {  	[sflag:s13] =	ssyncadd.s32 $0xFFFFFF38;
	(pc) =	sbr.rel @p0 .LBB2_2-.Ltmp0, $4  }
0x52: {  	[tilespmem:s18], [sflag:$0x1] =	stream.indirect.gather [hbm4b:s4+s14], $0x80, s17, s14, $0xb8;
	[tilespmem:$0xCA00] =	vst v63  }
0x53: {  	_ =	swait.ge [sflag:s16], $0x6400  }
0x54: {  	[sflag:s16] =	ssyncset.done $0x0  }
0x55: {  	s24 =	sadd.s32 $0x190, s24;
	s23 =	sadd.s32 $0x1900, s23;
	[sflag:s16] =	ssyncadd.s32 $0xFFFF9C00  }
0x56: {  	[hbm4b:s25+s3] =	stream.linear.scatter [tilespmem:s18], [sflag:$0x3], $0x6400, $0x38;
	[tilespmem:$0xCA00] =	vst v63  }
0x57: {  	s21 =	sadd.s32 $0x1, s21  }
0x58: {  	_ =	swait.ge [sflag:s19], $0x6400;
	p0 =	sne.s32 s21, s5  }
.Ltmp1:
0x59: {  	[sflag:s19] =	ssyncset.done $0x0;
	(pc) =	sbr.rel @p0 .LBB2_1-.Ltmp1, $4  }
0x5a: {  	[sflag:s19] =	ssyncadd.s32 $0xFFFF9C00  }
0x5b: {  	_ =	swait.ge [sflag:s20], $0x6400  }
0x5c: {  	[sflag:s20] =	ssyncset.done $0x0  }
0x5d: {  	[sflag:s20] =	ssyncadd.s32 $0xFFFF9C00  }
0x5e: {  	_ =	sfence.sel $0x180000  }
0x5f: {  	[bflag:$0x0] =	sbarrier.arrive $0xFFFF  }
0x60: {  	p0 =	sne.s32 s1, $0x0;
	_ =	strace $0x90000047  }
0x61: {  	s0 =	sadd.s32 @!p0 $0x100000, s0;
	[bflag:$0x2] =	sbarrier.arrive $0xFFFF  }
0x62: {  	[sflag:s0] =	ssyncadd.tile.s32 @!p0 $0x1;
	_ =	shalt  }
.Lfunc_end2:
_tile_overlayer_lowered:
.L_overlay_start_2:
0x63: {  	(tag) =	ssettag $0x2  }
0x64: {  	s0 =	rddreg [dreg:$0x0];
	s2 =	stileid.u32  }
0x65: {  	s1 =	rddreg [dreg:$0x1];
	p0 =	sne.s32 s2, $0x0  }
0x66: {  	s3 =	rddreg [dreg:$0x2];
	[bflag:$0x3] =	sbarrier.arrive $0xFFFF;
	s2 =	simm.s32 @!p0 $0x1C04  }
0x67: {  	[timem:s3], [sflag:s2] =	dma.local @!p0 [hbm:s0], s1  }
0x68: {  	s0 =	simm.s32 @!p0 $0x4  }
0x69: {  	_ =	swait.ge @!p0 [sflag:s0], s1  }
0x6a: {  	s1 =	ssub.s32 @!p0 $0x0, s1;
	[sflag:s0] =	ssyncset.done @!p0 $0x0  }
0x6b: {  	[sflag:s0] =	ssyncadd.s32 @!p0 s1  }
0x6c: {  	[bflag:$0x3] =	sbarrier.arrive $0xFFFF  }
0x6d: {  	_ =	shalt  }

</sc_bundles>
